<compile_context>
chip_gen: v7x
topology: tpu7x:2x2x1
jax: 0.10.2.dev20260603
libtpu: 0.0.44.dev20260713+nightly
codegen_flags: <defaults>
</compile_context>

<pallas_src>
import functools

import jax
import jax.numpy as jnp
from jax import lax
from jax.experimental import pallas as pl
from jax.experimental.pallas import tpu as pltpu
from jax.experimental.pallas import tpu_sc as plsc


def _gather_kernel(B, S, D):
    mesh = plsc.VectorSubcoreMesh(
        core_axis_name="c", subcore_axis_name="s", num_cores=1)

    @functools.partial(
        pl.kernel,
        mesh=mesh,
        out_type=jax.ShapeDtypeStruct((B, 4 * D), jnp.float32),
        scratch_types=[
            pltpu.VMEM((16,), jnp.int32),
            pltpu.VMEM((1, D), jnp.float32),
            pltpu.SemaphoreType.DMA,
        ],
    )
    def k(x_hbm, ann_hbm, out_hbm, idx_v, row_v, sem):
        wid = lax.axis_index("s") + lax.axis_index("c")

        pltpu.sync_copy(ann_hbm, idx_v)
        lane = lax.iota(jnp.int32, 16)
        b_idx = lane >> 2
        rows = idx_v[...] + b_idx * S
        perm = (lane + wid) & 15
        dnums = lax.GatherDimensionNumbers(
            offset_dims=(), collapsed_slice_dims=(0,), start_index_map=(0,))
        idx_v[...] = lax.gather(
            rows, perm.reshape(16, 1), dnums, (1,),
            mode=lax.GatherScatterMode.PROMISE_IN_BOUNDS)
        pltpu.async_copy(x_hbm.at[idx_v.at[pl.ds(0, 1)]], row_v, sem).wait()
        pltpu.sync_copy(
            row_v, out_hbm.at[pl.ds(wid // 4, 1), pl.ds((wid % 4) * D, D)])

    return k


def kernel(x, src_tokens, annotation):
    B, S, D = x.shape
    x_flat = x.reshape(B * S, D)
    ann = annotation.reshape(-1).astype(jnp.int32)
    return _gather_kernel(B, S, D)(x_flat, ann)

# --- scband reference (transcript-rebuilt; emitter-appended) ---
"""Pipeline reference for scband-entity-concat-43293270343878 (READ-ONLY COPY).

The authoritative reference and input builder live on the scoring server;
editing this copy changes nothing except your own understanding.
"""

import jax, jax.numpy as jnp
import numpy as np


def setup_inputs(seed: int = 0) -> dict:
    key = jax.random.key(seed)
    k1, k2, k3 = jax.random.split(key, 3)
    B, S, D = 4, 8192, 1024
    x = jax.random.normal(k1, (B, S, D), dtype=jnp.float32)
    src_tokens = jax.random.randint(k2, (B, S), 0, 32000, dtype=jnp.int64)
    annotation = jax.random.randint(k3, (B, 4), 0, S, dtype=jnp.int64)
    return {"x": x, "src_tokens": src_tokens, "annotation": annotation}


def reference(x, src_tokens, annotation):
    B, S, D = x.shape
    # torch: x.gather(1, annotation.view(-1, 4, 1).expand(-1, -1, D))
    idx = jnp.broadcast_to(annotation.reshape(B, 4, 1), (B, 4, D))
    entity_rep = jnp.take_along_axis(x, idx, axis=1)
    head_tail_concat = entity_rep.reshape(B, -1)
    return head_tail_concat

if __name__ == "__main__":
    import jax
    _d = setup_inputs()
    print(jax.jit(kernel)(*tuple(_d.values())))

</pallas_src>

<mosaic_0001>
#map = affine_map<(d0, d1) -> (0, 0)>
#map1 = affine_map<(d0, d1) -> (0)>
module attributes {stable_mosaic.version = 14 : i64} {
  func.func @k(%arg0: i32, %arg1: i32, %arg2: memref<32768x1024xf32, #tpu.memory_space<hbm>>, %arg3: memref<16xi32, #tpu.memory_space<hbm>>, %arg4: memref<4x4096xf32, #tpu.memory_space<hbm>>, %arg5: memref<16xi32, #tpu.memory_space<vmem>>, %arg6: memref<1x1024xf32, #tpu.memory_space<vmem>>, %arg7: memref<!tpu.dma_semaphore, #tpu.memory_space<semaphore_mem>>) attributes {dimension_semantics = [#tpu.dimension_semantics<core_parallel>, #tpu.dimension_semantics<subcore_parallel>], iteration_bounds = array<i64: 1, 16>, scalar_prefetch = 0 : i64, scratch_operands = 3 : i64, tpu.core_type = #tpu.core_type<sc_vector_subcore>, window_params = [{transform_indices = #map}, {transform_indices = #map1}, {transform_indices = #map}]} {
    %add3A = arith.addi %arg1, %arg0 : i32
    "tpu.region"() ({
      %run_scoped3A = tpu.sem_alloc : memref<!tpu.dma_semaphore, #tpu.memory_space<semaphore_mem>>
      tpu.enqueue_dma source(%arg3 : memref<16xi32, #tpu.memory_space<hbm>>) target(%arg5 : memref<16xi32, #tpu.memory_space<vmem>>) target_semaphore(%run_scoped3A : memref<!tpu.dma_semaphore, #tpu.memory_space<semaphore_mem>>)
      tpu.wait_dma2 semaphore(%run_scoped3A : memref<!tpu.dma_semaphore, #tpu.memory_space<semaphore_mem>>) src(%arg3 : memref<16xi32, #tpu.memory_space<hbm>>) dst(%arg5 : memref<16xi32, #tpu.memory_space<vmem>>)
      tpu.yield
    }) : () -> ()
    %iota3A = tpu.iota {dimensions = array<i32: 0>} : vector<16xi32>
    %shift_right_arithmetic3A = arith.constant 2 : i32
    %shift_right_arithmetic3A_0 = vector.broadcast %shift_right_arithmetic3A : i32 to vector<16xi32>
    %shift_right_arithmetic3A_1 = arith.shrsi %iota3A, %shift_right_arithmetic3A_0 : vector<16xi32>
    %get3A = arith.constant 0 : index
    %get3A_2 = tpu.vector_load %arg5[%get3A] {strides = array<i32>} : memref<16xi32, #tpu.memory_space<vmem>>, vector<16xi32>,
    %get3A_3 = vector.shape_cast %get3A_2 : vector<16xi32> to vector<16xi32>
    %mul3A = arith.constant 8192 : i32
    %mul3A_4 = vector.broadcast %mul3A : i32 to vector<16xi32>
    %mul3A_5 = arith.muli %shift_right_arithmetic3A_1, %mul3A_4 : vector<16xi32>
    %add3A_6 = arith.addi %get3A_3, %mul3A_5 : vector<16xi32>
    %add3A_7 = vector.broadcast %add3A : i32 to vector<16xi32>
    %add3A_8 = arith.addi %iota3A, %add3A_7 : vector<16xi32>
    %and3A = arith.constant 15 : i32
    %and3A_9 = vector.broadcast %and3A : i32 to vector<16xi32>
    %and3A_10 = arith.andi %add3A_8, %and3A_9 : vector<16xi32>
    %reshape3A = vector.shape_cast %and3A_10 : vector<16xi32> to vector<16x1xi32>
    %gather3A = vector.shape_cast %reshape3A : vector<16x1xi32> to vector<16xi32>
    %gather3A_11 = tpu.dynamic_gather %add3A_6[%gather3A] in [0] : vector<16xi32>, vector<16xi32> -> vector<16xi32>
    %swap3A = arith.constant 0 : index
    %swap3A_12 = tpu.vector_load %arg5[%swap3A] {strides = array<i32>} : memref<16xi32, #tpu.memory_space<vmem>>, vector<16xi32>,
    %swap3A_13 = vector.shape_cast %swap3A_12 : vector<16xi32> to vector<16xi32>
    %swap3A_14 = vector.shape_cast %gather3A_11 : vector<16xi32> to vector<16xi32>
    tpu.vector_store %arg5[%swap3A], %swap3A_14 {strides = array<i32>} : memref<16xi32, #tpu.memory_space<vmem>>, vector<16xi32>,
    %dma_start3A = arith.constant 0 : i32
    %dma_start3A_15 = tpu.memref_slice %arg5[%dma_start3A] : memref<16xi32, #tpu.memory_space<vmem>> -> memref<1xi32, #tpu.memory_space<vmem>>
    %dma_start3A_16 = arith.constant 0 : i32
    %dma_start3A_17 = arith.constant 0 : i32
    %dma_start3A_18 = tpu.memref_slice %arg2[%dma_start3A_16, %dma_start3A_17] : memref<32768x1024xf32, #tpu.memory_space<hbm>> -> memref<32768x1024xf32, #tpu.memory_space<hbm>>
    tpu.enqueue_indirect_dma source(%dma_start3A_18 : memref<32768x1024xf32, #tpu.memory_space<hbm>>) target(%arg6 : memref<1x1024xf32, #tpu.memory_space<vmem>>) offsets(%dma_start3A_15 : memref<1xi32, #tpu.memory_space<vmem>>) semaphore(%arg7 : memref<!tpu.dma_semaphore, #tpu.memory_space<semaphore_mem>>)
    %dma_wait3A = arith.constant 0 : i32
    %dma_wait3A_19 = tpu.memref_slice %arg5[%dma_wait3A] : memref<16xi32, #tpu.memory_space<vmem>> -> memref<1xi32, #tpu.memory_space<vmem>>
    %dma_wait3A_20 = arith.constant 0 : i32
    %dma_wait3A_21 = arith.constant 0 : i32
    %dma_wait3A_22 = tpu.memref_slice %arg2[%dma_wait3A_20, %dma_wait3A_21] : memref<32768x1024xf32, #tpu.memory_space<hbm>> -> memref<32768x1024xf32, #tpu.memory_space<hbm>>
    tpu.wait_indirect_dma semaphore(%arg7 : memref<!tpu.dma_semaphore, #tpu.memory_space<semaphore_mem>>) src(%dma_wait3A_22 : memref<32768x1024xf32, #tpu.memory_space<hbm>>) dst(%arg6 : memref<1x1024xf32, #tpu.memory_space<vmem>>)
    %jit3A = arith.constant 4 : i32
    %div3A = arith.divsi %add3A, %jit3A : i32
    %sign3A = arith.constant 0 : i32
    %sign3A_23 = arith.cmpi sgt, %add3A, %sign3A : i32
    %sign3A_24 = arith.extui %sign3A_23 : i1 to i32
    %sign3A_25 = arith.constant 0 : i32
    %sign3A_26 = arith.cmpi slt, %add3A, %sign3A_25 : i32
    %sign3A_27 = arith.extui %sign3A_26 : i1 to i32
    %sign3A_28 = arith.subi %sign3A_24, %sign3A_27 : i32
    %sign3A_29 = arith.constant 0 : i32
    %sign3A_30 = arith.cmpi sgt, %jit3A, %sign3A_29 : i32
    %sign3A_31 = arith.extui %sign3A_30 : i1 to i32
    %sign3A_32 = arith.constant 0 : i32
    %sign3A_33 = arith.cmpi slt, %jit3A, %sign3A_32 : i32
    %sign3A_34 = arith.extui %sign3A_33 : i1 to i32
    %sign3A_35 = arith.subi %sign3A_31, %sign3A_34 : i32
    %ne3A = arith.cmpi ne, %sign3A_28, %sign3A_35 : i32
    %rem3A = arith.remsi %add3A, %jit3A : i32
    %ne3A_36 = arith.constant 0 : i32
    %ne3A_37 = arith.cmpi ne, %rem3A, %ne3A_36 : i32
    %and3A_38 = arith.andi %ne3A, %ne3A_37 : i1
    %sub3A = arith.constant 1 : i32
    %sub3A_39 = arith.subi %div3A, %sub3A : i32
    %select_n3A = arith.select %and3A_38, %sub3A_39, %div3A : i32
    %jit3A_40 = arith.constant 4 : i32
    %eq3A = arith.constant 0 : i32
    %eq3A_41 = arith.cmpi eq, %jit3A_40, %eq3A : i32
    %jit3A_42 = arith.constant 1 : i32
    %select_n3A_43 = arith.select %eq3A_41, %jit3A_42, %jit3A_40 : i32
    %rem3A_44 = arith.remsi %add3A, %select_n3A_43 : i32
    %ne3A_45 = arith.constant 0 : i32
    %ne3A_46 = arith.cmpi ne, %rem3A_44, %ne3A_45 : i32
    %lt3A = arith.constant 0 : i32
    %lt3A_47 = arith.cmpi slt, %rem3A_44, %lt3A : i32
    %lt3A_48 = arith.constant 0 : i32
    %lt3A_49 = arith.cmpi slt, %select_n3A_43, %lt3A_48 : i32
    %ne3A_50 = arith.xori %lt3A_47, %lt3A_49 : i1
    %and3A_51 = arith.andi %ne3A_50, %ne3A_46 : i1
    %add3A_52 = arith.addi %rem3A_44, %select_n3A_43 : i32
    %select_n3A_53 = arith.select %and3A_51, %add3A_52, %rem3A_44 : i32
    %mul3A_54 = arith.constant 1024 : i32
    %mul3A_55 = arith.muli %select_n3A_53, %mul3A_54 : i32
    "tpu.region"() ({
      %run_scoped3A = tpu.sem_alloc : memref<!tpu.dma_semaphore, #tpu.memory_space<semaphore_mem>>
      %dma_start3A_56 = tpu.memref_slice %arg4[%select_n3A, %mul3A_55] : memref<4x4096xf32, #tpu.memory_space<hbm>> -> memref<1x1024xf32, #tpu.memory_space<hbm>>
      %dma_start3A_57 = tpu.memref_slice %arg4[%select_n3A, %mul3A_55] : memref<4x4096xf32, #tpu.memory_space<hbm>> -> memref<1x1024xf32, #tpu.memory_space<hbm>>
      tpu.enqueue_dma source(%arg6 : memref<1x1024xf32, #tpu.memory_space<vmem>>) target(%dma_start3A_57 : memref<1x1024xf32, #tpu.memory_space<hbm>>) target_semaphore(%run_scoped3A : memref<!tpu.dma_semaphore, #tpu.memory_space<semaphore_mem>>)
      %dma_wait3A_58 = tpu.memref_slice %arg4[%select_n3A, %mul3A_55] : memref<4x4096xf32, #tpu.memory_space<hbm>> -> memref<1x1024xf32, #tpu.memory_space<hbm>>
      %dma_wait3A_59 = tpu.memref_slice %arg4[%select_n3A, %mul3A_55] : memref<4x4096xf32, #tpu.memory_space<hbm>> -> memref<1x1024xf32, #tpu.memory_space<hbm>>
      tpu.wait_dma2 semaphore(%run_scoped3A : memref<!tpu.dma_semaphore, #tpu.memory_space<semaphore_mem>>) src(%arg6 : memref<1x1024xf32, #tpu.memory_space<vmem>>) dst(%dma_wait3A_59 : memref<1x1024xf32, #tpu.memory_space<hbm>>)
      tpu.yield
    }) : () -> ()
    return
  }
}

</mosaic_0001>

<sc_bundles>
// kernel: kernel.3.cloned.1.call-start
scs
__scs_entry_jumppad:
0x0: {  	(pc) =	sbr.rel $0x88, $3  }
0x1: {  	(tag) =	ssettag $0x0;
	lr =	simm.s32 $0x1  }
0x2: {  	[smem:$0x3F9F] =	sst lr;
	_ =	strace $0xD0000000  }
0x3: {  	_ = 	snop  }
0x4: {  	_ = 	snop  }
0x5: {  	_ = 	snop  }
0x6: {  	_ = 	snop  }
0x7: {  	_ = 	snop  }
__scs_overlays_trampoline_lowered:
0x8: {  	[smem:$0x3FAE] =	sst s0  }
0x9: {  	[smem:$0x3FAF] =	sst s1  }
0xa: {  	[smem:$0x3FB0] =	sst s2  }
0xb: {  	[smem:$0x3FB1] =	sst s3  }
0xc: {  	[smem:$0x3FB2] =	sst s4  }
0xd: {  	[smem:$0x3FB3] =	sst s5  }
0xe: {  	[smem:$0x3FB4] =	sst s6  }
0xf: {  	[smem:$0x3FB5] =	sst s7  }
0x10: {  	[smem:$0x3FB6] =	sst s8  }
0x11: {  	[smem:$0x3FB7] =	sst s9;
	s0 =	simm.s32 @!p0 $0x0  }
0x12: {  	s1 =	sld [smem:$0x3F9D];
	s0 =	simm.s32 @p0 $0x1  }
0x13: {  	[smem:$0x3FB8] =	sst s0;
	s0 =	simm.s32 @!p1 $0x0  }
0x14: {  	s2 =	sld [smem:$0x3F9C];
	s0 =	simm.s32 @p1 $0x1  }
0x15: {  	[smem:$0x3FB9] =	sst s0;
	s0 =	simm.s32 @!p2 $0x0  }
0x16: {  	s3 =	sld [smem:$0x3FDB];
	s0 =	simm.s32 @p2 $0x1  }
0x17: {  	s4 =	simm.s32 $0x1BF5;
	[smem:$0x3FBB] =	sst s0  }
0x18: {  	s0 =	sld [smem:$0x3F9E];
	_ =	swait.ge [sflag:s4], $0x0  }
0x19: {  	s7 =	sld [smem:$0x3F9F]  }
0x1a: {  	s8 =	sadd.s32 $0xFFFFE003, lr  }
0x1b: {  	s9 =	sadd.s32 $0xFFFFFEF7, lr;
	s5 =	simm.s32 $0xFFFFFFFF;
	p2 =	slt.u32 s8, $0xFFFFF086  }
0x1c: {  	p1 =	slt.u32 s9, $0xF7A;
	s5 =	simm.s32 @!p2 $0x0  }
0x1d: {  	s5 =	simm.s32 @p1 $0x1;
	p0 =	seq.s32 s7, s2  }
0x1e: {  	s7 =	smul.u32 @!p0 $0xF7A, s2;
	p2 =	seq.s32 @!p0 s5, $0x0  }
0x1f: {  	s9 =	smul.u32 $0xF7A, s1;
	s8 =	simm.s32 @!p0 $0x1BF5;
	p2 =	por !p2, p0  }
0x20: {  	[sflag:s8] =	ssyncset.s32 @!p0 $0xFFFFF086;
	s6 =	sadd.s32 @!p0 s3, s7;
	s7 =	simm.s32 @!p0 $0x108  }
0x21: {  	s3 =	sadd.s32 s3, s9;
	s6 =	sadd.s32 @!p0 $0x88, s6;
	s7 =	simm.s32 @p2 $0x1082  }
0x22: {  	[simem:s7], [sflag:s8] =	dma.local @!p0 [hbm:s6], $0xF7A  }
0x23: {  	s9 =	sor.u32 $0xD0000000, s2;
	s6 =	simm.s32 $0x108;
	_ =	swait.ge @!p0 [sflag:s8], $0x0  }
0x24: {  	s3 =	sadd.s32 $0x88, s3;
	s6 =	simm.s32 @!p1 $0x1082;
	[sflag:s4] =	ssyncset.s32 $0xFFFFF086  }
0x25: {  	[simem:s6], [sflag:s4] =	dma.local [hbm:s3], $0xF7A  }
0x26: {  	[smem:$0x3F9F] =	sst s1;
	(tag) =	ssettag s2;
	_ =	strace s9  }
0x27: {  	s1 =	sld [smem:$0x3FAF]  }
0x28: {  	s2 =	sld [smem:$0x3FB0]  }
0x29: {  	s4 =	sld [smem:$0x3FB2]  }
0x2a: {  	p0 =	seq.s32 s5, $0x0;
	s5 =	sld [smem:$0x3FB3]  }
0x2b: {  	s6 =	sld [smem:$0x3FB4]  }
0x2c: {  	s7 =	sld [smem:$0x3FB5]  }
0x2d: {  	s3 =	simm.s32 $0x108;
	s8 =	sld [smem:$0x3FB6]  }
0x2e: {  	s3 =	simm.s32 @!p0 $0x1082;
	s9 =	sld [smem:$0x3FB7]  }
0x2f: {  	lr =	sadd.s32 s0, s3;
	s0 =	sld [smem:$0x3FAE]  }
0x30: {  	s3 =	sld [smem:$0x3FB1]  }
0x31: {  	[smem:$0x3FBA] =	sst s10  }
0x32: {  	s10 =	sld [smem:$0x3FB8];
	_ =	sdelay $0x3  }
0x33: {  	p0 =	seq.s32 s10, $0x1;
	s10 =	sld [smem:$0x3FBA];
	_ =	sdelay $0x3  }
0x34: {  	[smem:$0x3FBA] =	sst s10  }
0x35: {  	s10 =	sld [smem:$0x3FB9];
	_ =	sdelay $0x3  }
0x36: {  	p1 =	seq.s32 s10, $0x1;
	s10 =	sld [smem:$0x3FBA];
	_ =	sdelay $0x3  }
0x37: {  	[smem:$0x3FBA] =	sst s10  }
0x38: {  	s10 =	sld [smem:$0x3FBB]  }
0x39: {  	_ = 	snop;
	(pc) =	sbr.ind lr, $3  }
0x3a: {  	_ = 	snop  }
0x3b: {  	_ = 	snop  }
0x3c: {  	p2 =	seq.s32 s10, $0x1;
	s10 =	sld [smem:$0x3FBA]  }
0x3d: {  	_ =	shalt  }
0x3e: {  	_ =	shalt  }
0x3f: {  	_ =	shalt  }
0x40: {  	_ =	shalt  }
0x41: {  	_ =	shalt  }
0x42: {  	_ =	shalt  }
0x43: {  	_ =	shalt  }
0x44: {  	_ =	shalt  }
0x45: {  	_ =	shalt  }
0x46: {  	_ =	shalt  }
0x47: {  	_ =	shalt  }
0x48: {  	_ =	shalt  }
0x49: {  	_ =	shalt  }
0x4a: {  	_ =	shalt  }
0x4b: {  	_ =	shalt  }
0x4c: {  	_ =	shalt  }
0x4d: {  	_ =	shalt  }
0x4e: {  	_ =	shalt  }
0x4f: {  	_ =	shalt  }
0x50: {  	_ =	shalt  }
0x51: {  	_ =	shalt  }
0x52: {  	_ =	shalt  }
0x53: {  	_ =	shalt  }
0x54: {  	_ =	shalt  }
0x55: {  	_ =	shalt  }
0x56: {  	_ =	shalt  }
0x57: {  	_ =	shalt  }
0x58: {  	_ =	shalt  }
0x59: {  	_ =	shalt  }
0x5a: {  	_ =	shalt  }
0x5b: {  	_ =	shalt  }
0x5c: {  	_ =	shalt  }
0x5d: {  	_ =	shalt  }
0x5e: {  	_ =	shalt  }
0x5f: {  	_ =	shalt  }
0x60: {  	_ =	shalt  }
0x61: {  	_ =	shalt  }
0x62: {  	_ =	shalt  }
0x63: {  	_ =	shalt  }
0x64: {  	_ =	shalt  }
0x65: {  	_ =	shalt  }
0x66: {  	_ =	shalt  }
0x67: {  	_ =	shalt  }
0x68: {  	_ =	shalt  }
0x69: {  	_ =	shalt  }
0x6a: {  	_ =	shalt  }
0x6b: {  	_ =	shalt  }
0x6c: {  	_ =	shalt  }
0x6d: {  	_ =	shalt  }
0x6e: {  	_ =	shalt  }
0x6f: {  	_ =	shalt  }
0x70: {  	_ =	shalt  }
0x71: {  	_ =	shalt  }
0x72: {  	_ =	shalt  }
0x73: {  	_ =	shalt  }
0x74: {  	_ =	shalt  }
0x75: {  	_ =	shalt  }
0x76: {  	_ =	shalt  }
0x77: {  	_ =	shalt  }
0x78: {  	_ =	shalt  }
0x79: {  	_ =	shalt  }
0x7a: {  	_ =	shalt  }
0x7b: {  	_ =	shalt  }
0x7c: {  	_ =	shalt  }
0x7d: {  	_ =	shalt  }
0x7e: {  	_ =	shalt  }
0x7f: {  	_ =	shalt  }
0x80: {  	_ =	shalt  }
0x81: {  	_ =	shalt  }
0x82: {  	_ =	shalt  }
0x83: {  	_ =	shalt  }
0x84: {  	_ =	shalt  }
0x85: {  	_ =	shalt  }
0x86: {  	_ =	shalt  }
0x87: {  	_ =	shalt  }
.Lfunc_end0:
.L_simem_size_0:
called_computation_lowered:
.L_overlay_start_0:
0x88: {  	s0 =	sld [smem:$0x3FD9]  }
0x89: {  	s1 =	sld [smem:$0x3FFE];
	_ =	sdelay $0x3  }
0x8a: {  	s0 =	sadd.s32 s1, s0  }
0x8b: {  	[smem:$0x3FC6] =	sst s0  }
0x8c: {  	_ = 	snop  }
0x8d: {  	s0 =	sld [smem:$0x3FC9]  }
0x8e: {  	s16 =	sld [smem:$0x3FD0];
	(tm) =	ssettm $0x1  }
0x8f: {  	s2 =	sld [smem:$0x3FFB];
	_ =	sdelay $0x3  }
0x90: {  	_ =	strace s2  }
0x91: {  	s2 =	sld [smem:$0x3FFC];
	_ =	sdelay $0x3  }
0x92: {  	_ =	strace s2  }
0x93: {  	s2 =	sld [smem:$0x3FFD];
	_ =	sdelay $0x3  }
0x94: {  	_ =	strace s2  }
0x95: {  	_ =	strace $0x8FFFFFFF  }
0x96: {  	s17 =	sld [smem:$0x3FDB];
	_ =	sdelay $0x1  }
0x97: {  	s3 =	simm.s32 $_scs_section_size  }
0x98: {  	s4 =	simm.s32 $_size__tile_overlayer_lowered;
	s5 =	simm.s32 $_tile_overlayer_lowered  }
0x99: {  	s20 =	simm.s32 $0x1BFF;
	s19 =	sshll.u32 s5, $0x1;
	s2 =	sadd.s32 s3, s17  }
0x9a: {  	s6 =	simm.s32 $0x0;
	s18 =	sshll.u32 s4, $0x1;
	s4 =	sadd.s32 s19, s2  }
0x9b: {  	[timem:s6], [sflag:s20] =	dma.local [hbm:s4], s18  }
0x9c: {  	_ =	swait.ge [sflag:s20], s18  }
0x9d: {  	s3 =	ssub.s32 $0x0, s18;
	[sflag:s20] =	ssyncset.done $0x0  }
0x9e: {  	[sflag:s20] =	ssyncadd.s32 s3;
	_ =	sdelay $0x1  }
0x9f: {  	s21 =	simm.s32 $0x1B8B  }
0xa0: {  	_ =	swait.ge [sflag:s21], $0x1  }
0xa1: {  	[sflag:s21] =	ssyncset.done $0x0  }
0xa2: {  	s23 =	simm.s32 $0x1B8E;
	s22 =	sld [smem:$0x3FFE];
	[sflag:s21] =	ssyncadd.s32 $0xFFFFFFFF  }
0xa3: {  	s24 =	simm.s32 $execute0_lowered;
	[smem:$0x3FD2] =	sst s23  }
0xa4: {  	s4 =	sshll.u32 s24, $0x1;
	_ =	strace $0x80000046;
	[dreg:$0x1] =	wrdreg $0xFFFFFFFF  }
0xa5: {  	s25 =	simm.s32 $_size_execute0_lowered;
	s2 =	sadd.s32 s2, s4;
	[dreg:$0x0] =	wrdreg $0x0  }
0xa6: {  	s4 =	sshll.u32 s25, $0x1;
	[dreg:$0x2] =	wrdreg s2  }
0xa7: {  	[dreg:$0x3] =	wrdreg s4  }
0xa8: {  	[dreg:$0x4] =	wrdreg $0xC0  }
0xa9: {  	_ =	task [dreg:s6], $0x5FFFF  }
0xaa: {  	[dreg:$0x1] =	wrdreg $0xFFFFFFFF  }
0xab: {  	[dreg:$0x0] =	wrdreg $0x60  }
0xac: {  	[dreg:$0x2] =	wrdreg s0  }
0xad: {  	[dreg:$0x3] =	wrdreg s22  }
0xae: {  	[dreg:$0x4] =	wrdreg s16  }
0xaf: {  	[dreg:$0x5] =	wrdreg $0x9  }
0xb0: {  	_ =	task.clear_ibuf [dreg:s6], $0x6FFFF;
	_ =	strace $0x90000046  }
0xb1: {  	s26 =	simm.s32 $0x9;
	_ =	strace $0x80000048  }
0xb2: {  	_ =	swait.ge [sflag:s26], $0x1  }
0xb3: {  	[sflag:s26] =	ssyncadd.s32 $0xFFFFFFFF  }
0xb4: {  	_ =	strace $0x90000048  }
0xb5: {  	_ =	sfence  }
0xb6: {  	s28 =	sld [smem:$0x0];
	_ =	sdelay $0x1  }
0xb7: {  	s29 =	srdreg.scid  }
0xb8: {  	s30 =	sshll.u32 s29, $0xD;
	s31 =	sshrl.u32 s29, $0x2  }
0xb9: {  	s1 =	sand.u32 $0x1, s29;
	s2 =	sand.u32 $0x4000, s30;
	s0 =	sadd.s32 s31, s28  }
0xba: {  	s1 =	sor.u32 s2, s1;
	s0 =	sshll.u32 s0, $0x11  }
0xbb: {  	s0 =	sor.u32 s0, s1  }
0xbc: {  	s0 =	sadd.s32 $0x8F2B, s0  }
0xbd: {  	[sflag:s0] =	ssyncadd.remote.s32 $0x1  }
0xbe: {  	_ =	sfence.sel $0xFFFF  }
0xbf: {  	[dreg:$0x0] =	wrdreg $0xFFFFFFFF;
	(pc) =	sbr.abs _section_cstart, $3  }
0xc0: {  	[dreg:$0x1] =	wrdreg $0xFFFFFFFF  }
0xc1: {  	_ =	task.clear_ibuf [dreg:s6], $0x2FFFF;
	_ =	strace $0x9FFFFFFF  }
0xc2: {  	(tm) =	ssettm $0x7FFFFFFF  }
0xc3: {  	_ =	shalt  }
tec
execute0_lowered:
.L_overlay_start_1:
0x0: {  	(tag) =	ssettag $0x1  }
0x1: {  	s0 =	rddreg [dreg:$0x0]  }
0x2: {  	s1 =	rddreg [dreg:$0x1]  }
0x3: {  	s2 =	rddreg [dreg:$0x2]  }
0x4: {  	s3 =	rddreg [dreg:$0x3];
	s4 =	simm.s32 $0x0  }
0x5: {  	[smem:$0x7FF] =	sst s4  }
0x6: {  	s28 =	simm.s32 $0x2;
	s1 =	sadd.s32 $0x400, s1;
	_ =	strace $0x80000047  }
0x7: {  	[tilespmem:s4], [sflag:$0x2] =	stream.linear.gather [hbm4b:s1+s4], $0x80, $0x38;
	[tilespmem:$0x480] =	vst v63  }
0x8: {  	_ =	swait.ge [sflag:s28], $0x80  }
0x9: {  	[sflag:s28] =	ssyncset.done $0x0  }
0xa: {  	[sflag:s28] =	ssyncadd.s32 $0xFFFFFF80  }
0xb: {  	v0 =	vld [tilespmem:$0x0]  }
0xc: {  	v1 =	vlaneseq.u32  }
0xd: {  	v2 =	vshrl.u32 v1, $0x2  }
0xe: {  	v2 =	vmul.u32 $0x2000, v2  }
0xf: {  	s5 =	stileid.u32  }
0x10: {  	v3 =	vadd.s32 s5, v1;
	v0 =	vadd.s32 v2, v0  }
0x11: {  	v0 =	vperm.xlane v0, v3;
	_ =	sdelay $0x1  }
0x12: {  	[tilespmem:$0x0] =	vst v0  }
0x13: {  	v0 =	vld.msk [tilespmem:$0x0], $0x1;
	_ =	sdelay $0x4  }
0x14: {  	v62 =	vshll.u32 v0, $0x3  }
0x15: {  	v0 =	vand.u32 $0x7, v0;
	v2 =	vand.u32 $0xFFFFFFC0, v62  }
0x16: {  	v63 =	vimm.s32 $0x0;
	v0 =	vor.u32 v0, v2  }
0x17: {  	v1 =	vmul.u32 $0x8, v1;
	v0 =	vperm.xlane v0, v63;
	_ =	sdelay $0x1  }
0x18: {  	v0 =	vadd.s32 v1, v0;
	_ =	sdelay $0x3  }
0x19: {  	vm0 =	vmmov $0xff;
	s6 =	simm.s32 $0x80;
	s30 =	simm.s32 $0x1;
	s29 =	sshll.u32 s5, $0x2  }
0x1a: {  	[tilespmem:s6], [sflag:$0x1] =	stream.indirect_vreg.gather [hbm4b:s0+s4], $0x80, v0, vm0, $0xb8;
	[tilespmem:$0x480] =	vst v63  }
0x1b: {  	s7 =	sshll.u32 s5, $0x9;
	s0 =	sand.u32 $0x30, s29;
	_ =	swait.ge [sflag:s30], $0x400  }
0x1c: {  	s7 =	sand.u32 $0x600, s7;
	s0 =	sadd.s32 s2, s0;
	[sflag:s30] =	ssyncset.done $0x0  }
0x1d: {  	s31 =	simm.s32 $0x200;
	s0 =	sadd.s32 s7, s0;
	[sflag:s30] =	ssyncadd.s32 $0xFFFFFC00  }
0x1e: {  	[hbm4b:s0+s6] =	stream.strided.scatter [tilespmem:s6], [sflag:$0x2], $0x400, s31, s6, $0x38;
	[tilespmem:$0x480] =	vst v63  }
0x1f: {  	_ =	swait.ge [sflag:s28], $0x400  }
0x20: {  	[sflag:s28] =	ssyncset.done $0x0  }
0x21: {  	[sflag:s28] =	ssyncadd.s32 $0xFFFFFC00  }
0x22: {  	_ =	sfence.sel $0x180000  }
0x23: {  	[bflag:$0x0] =	sbarrier.arrive $0xFFFF  }
0x24: {  	p0 =	sne.s32 s5, $0x0;
	_ =	strace $0x90000047  }
0x25: {  	s0 =	sadd.s32 @!p0 $0x100000, s3;
	[bflag:$0x2] =	sbarrier.arrive $0xFFFF  }
0x26: {  	[sflag:s0] =	ssyncadd.tile.s32 @!p0 $0x1;
	_ =	shalt  }
.Lfunc_end2:
_tile_overlayer_lowered:
.L_overlay_start_2:
0x27: {  	(tag) =	ssettag $0x2  }
0x28: {  	s0 =	rddreg [dreg:$0x0];
	s2 =	stileid.u32  }
0x29: {  	s1 =	rddreg [dreg:$0x1];
	p0 =	sne.s32 s2, $0x0  }
0x2a: {  	s3 =	rddreg [dreg:$0x2];
	[bflag:$0x3] =	sbarrier.arrive $0xFFFF;
	s2 =	simm.s32 @!p0 $0x1C02  }
0x2b: {  	[timem:s3], [sflag:s2] =	dma.local @!p0 [hbm:s0], s1  }
0x2c: {  	s0 =	simm.s32 @!p0 $0x2  }
0x2d: {  	_ =	swait.ge @!p0 [sflag:s0], s1  }
0x2e: {  	s1 =	ssub.s32 @!p0 $0x0, s1;
	[sflag:s0] =	ssyncset.done @!p0 $0x0  }
0x2f: {  	[sflag:s0] =	ssyncadd.s32 @!p0 s1  }
0x30: {  	[bflag:$0x3] =	sbarrier.arrive $0xFFFF  }
0x31: {  	_ =	shalt  }

</sc_bundles>
